<compile_context>
chip_gen: v7x
topology: tpu7x:2x2x1
jax: 0.10.2.dev20260603
libtpu: 0.0.44.dev20260713+nightly
codegen_flags: <defaults>
</compile_context>

<pallas_src>
import jax
import jax.numpy as jnp
from jax import lax
from jax.experimental import pallas as pl
from jax.experimental.pallas import tpu as pltpu
from jax.experimental.pallas import tpu_sc as plsc

N = 131072
SIGMA = 0.9
NW = 32
PER_W = N // NW
STEPS = PER_W // 16

_LOG1P = (1.472065011e-06, 0.9998476975, -0.4973732162, 0.3157473168,
          -0.1903543367, 0.08269123711, -0.01741407752)


def _log1p_poly(u):
    acc = jnp.full((16,), _LOG1P[-1], jnp.float32)
    for c in _LOG1P[-2::-1]:
        acc = acc * u + c
    return acc


def _body(cls_hbm, tcls_hbm, regr_hbm, tregr_hbm, out_hbm,
          cls_v, tcls_v, regr_v, tregr_v, acc_v, dma_sem):
    wid = lax.axis_index("s") * 2 + lax.axis_index("c")

    copies = [
        pltpu.make_async_copy(
            cls_hbm.at[pl.ds(wid * PER_W * 2, PER_W * 2)], cls_v, dma_sem),
        pltpu.make_async_copy(
            tcls_hbm.at[pl.ds(wid * PER_W, PER_W)], tcls_v, dma_sem),
        pltpu.make_async_copy(
            regr_hbm.at[pl.ds(wid * PER_W * 2, PER_W * 2)], regr_v, dma_sem),
    ] + [
        pltpu.make_async_copy(
            tregr_hbm.at[pl.ds(c * N + wid * PER_W, PER_W)],
            tregr_v.at[pl.ds(c * PER_W, PER_W)], dma_sem)
        for c in range(3)
    ]
    for cp in copies:
        cp.start()
    for cp in copies:
        cp.wait()

    half = jnp.float32(0.5 / SIGMA)
    inv = jnp.float32(1.0 / SIGMA)

    def step(k, carry):
        a_nll, a_cnt, a_cor, a_rcnt = carry
        pair = 256 * (k >> 3) + 16 * (k & 7)
        seq = 16 * k
        a = cls_v[pl.ds(pair, 16)]
        b = cls_v[pl.ds(pair + 128, 16)]
        y = tcls_v[pl.ds(seq, 16)]
        m = jnp.maximum(a, b)
        d = jnp.abs(a - b)
        lse = m + _log1p_poly(jnp.exp(-d))
        lab = jnp.clip(y, 0, 1)
        sel = jnp.where(lab == 1, b, a)
        mf = jnp.where(y != -1, 1.0, 0.0).astype(jnp.float32)
        a_nll = a_nll + (lse - sel) * mf
        a_cnt = a_cnt + mf
        r0 = regr_v[pl.ds(pair, 16)]
        r1 = regr_v[pl.ds(pair + 128, 16)]
        t0 = tregr_v[pl.ds(seq, 16)]
        t1 = tregr_v[pl.ds(PER_W + seq, 16)]
        t2 = tregr_v[pl.ds(2 * PER_W + seq, 16)]
        d1 = jnp.abs(t1 - r0)
        d2 = jnp.abs(t2 - r1)
        c1 = jnp.where(d1 < inv, 0.5 * SIGMA * d1 * d1, d1 - half)
        c2 = jnp.where(d2 < inv, 0.5 * SIGMA * d2 * d2, d2 - half)
        rmf = jnp.where(t0 == 1.0, 1.0, 0.0).astype(jnp.float32)
        a_cor = a_cor + (c1 + c2) * rmf
        a_rcnt = a_rcnt + rmf
        return a_nll, a_cnt, a_cor, a_rcnt

    zero = jnp.zeros((16,), jnp.float32)
    a_nll, a_cnt, a_cor, a_rcnt = lax.fori_loop(
        0, STEPS, step, (zero, zero, zero, zero))

    acc_v[0] = a_nll
    acc_v[1] = a_cnt
    acc_v[2] = a_cor
    acc_v[3] = a_rcnt
    pltpu.sync_copy(acc_v, out_hbm.at[wid])


@jax.jit
def kernel(cls, target_cls, regr, target_regr):
    cls_flat = cls[0].reshape(N // 128, 128, 2).transpose(0, 2, 1).reshape(-1)
    regr_flat = regr[0].reshape(N // 128, 128, 2).transpose(0, 2, 1).reshape(-1)
    tregr_flat = target_regr.transpose(2, 0, 1).reshape(-1)
    tcls_flat = target_cls.reshape(-1).astype(jnp.int32)

    mesh = plsc.VectorSubcoreMesh(core_axis_name="c", subcore_axis_name="s")
    partials = pl.kernel(
        _body,
        mesh=mesh,
        compiler_params=pltpu.CompilerParams(needs_layout_passes=False),
        out_type=jax.ShapeDtypeStruct((NW, 4, 16), jnp.float32),
        scratch_types=[
            pltpu.VMEM((PER_W * 2,), jnp.float32),
            pltpu.VMEM((PER_W,), jnp.int32),
            pltpu.VMEM((PER_W * 2,), jnp.float32),
            pltpu.VMEM((3 * PER_W,), jnp.float32),
            pltpu.VMEM((4, 16), jnp.float32),
            pltpu.SemaphoreType.DMA,
        ],
    )(cls_flat, tcls_flat, regr_flat, tregr_flat)
    s = jnp.sum(partials, axis=(0, 2))
    sum_nll, cnt, sum_cor, rcnt = s[0], s[1], s[2], s[3]
    cls_loss = jnp.where(cnt > 0,
                         jnp.clip(sum_nll / jnp.maximum(cnt, 1.0), 0.0, 10.0),
                         jnp.float32(0.0))
    cor_loss = jnp.where(rcnt > 0, sum_cor / jnp.maximum(rcnt, 1.0),
                         jnp.float32(0.0))
    return (cls_loss, cor_loss)

# --- scband reference (transcript-rebuilt; emitter-appended) ---
"""Pipeline reference for scband-ctpn-loss-45028437131380 (READ-ONLY COPY).

The authoritative reference and input builder live on the scoring server;
editing this copy changes nothing except your own understanding.
"""

import jax, jax.numpy as jnp
import numpy as np

N = 131072
SIGMA = 0.9

def setup_inputs(seed: int = 0) -> dict:
    key = jax.random.key(seed)
    k1, k2, k3, k4 = jax.random.split(key, 4)
    cls = jax.random.normal(k1, (1, N, 2), dtype=jnp.float32)
    target_cls = jax.random.randint(k2, (1, 1, N), 0, 2).astype(jnp.int64)
    regr = jax.random.normal(k3, (1, N, 2), dtype=jnp.float32)
    # channel 0: integer-valued class flag in {0,1}; channels 1:3: integer-valued targets
    target_regr = jax.random.randint(k4, (1, N, 3), 0, 2).astype(jnp.float32)
    return {"cls": cls, "target_cls": target_cls, "regr": regr, "target_regr": target_regr}

def reference(cls, target_cls, regr, target_regr):
    # ----- classification branch (masked NLL over anchors with label != -1) -----
    y_true = target_cls[0][0]
    mask = (y_true != -1)
    cls_pred = cls[0]
    logp = jax.nn.log_softmax(cls_pred, axis=-1)
    labels = jnp.clip(y_true.astype(jnp.int32), 0, cls_pred.shape[-1] - 1)
    nll = -jnp.take_along_axis(logp, labels[:, None], axis=1)[:, 0]
    cnt = jnp.sum(mask.astype(jnp.float32))
    loss = jnp.sum(nll * mask.astype(jnp.float32)) / jnp.maximum(cnt, 1.0)
    cls_loss = jnp.where(cnt > 0, jnp.clip(loss, 0.0, 10.0), jnp.asarray(0.0, jnp.float32))
    # ----- regression branch (smooth-L1 over anchors with t_cls == 1) -----
    t_cls = target_regr[0, :, 0]
    t_regr = target_regr[0, :, 1:3]
    rmask = (t_cls == 1).astype(jnp.float32)
    diff = jnp.abs(t_regr - regr[0])
    less_one = (diff < 1.0 / SIGMA).astype(jnp.float32)
    cor = less_one * 0.5 * diff ** 2 * SIGMA + jnp.abs(1.0 - less_one) * (diff - 0.5 / SIGMA)
    cor = jnp.sum(cor, axis=1)
    rcnt = jnp.sum(rmask)
    cor_loss = jnp.where(rcnt > 0, jnp.sum(cor * rmask) / jnp.maximum(rcnt, 1.0), jnp.asarray(0.0, jnp.float32))
    return (cls_loss, cor_loss)

if __name__ == "__main__":
    import jax
    _d = setup_inputs()
    print(jax.jit(kernel)(*tuple(_d.values())))

</pallas_src>

<mosaic_0001>
#map = affine_map<(d0, d1) -> (0)>
#map1 = affine_map<(d0, d1) -> (0, 0, 0)>
module attributes {stable_mosaic.version = 14 : i64} {
  func.func @_body(%arg0: i32, %arg1: i32, %arg2: memref<262144xf32, #tpu.memory_space<hbm>>, %arg3: memref<131072xi32, #tpu.memory_space<hbm>>, %arg4: memref<262144xf32, #tpu.memory_space<hbm>>, %arg5: memref<393216xf32, #tpu.memory_space<hbm>>, %arg6: memref<32x4x16xf32, #tpu.memory_space<hbm>>, %arg7: memref<8192xf32, #tpu.memory_space<vmem>>, %arg8: memref<4096xi32, #tpu.memory_space<vmem>>, %arg9: memref<8192xf32, #tpu.memory_space<vmem>>, %arg10: memref<12288xf32, #tpu.memory_space<vmem>>, %arg11: memref<4x16xf32, #tpu.memory_space<vmem>>, %arg12: memref<!tpu.dma_semaphore, #tpu.memory_space<semaphore_mem>>) attributes {dimension_semantics = [#tpu.dimension_semantics<core_parallel>, #tpu.dimension_semantics<subcore_parallel>], iteration_bounds = array<i64: 2, 16>, scalar_prefetch = 0 : i64, scratch_operands = 6 : i64, tpu.core_type = #tpu.core_type<sc_vector_subcore>, window_params = [{transform_indices = #map}, {transform_indices = #map}, {transform_indices = #map}, {transform_indices = #map}, {transform_indices = #map1}]} {
    %mul3A = arith.constant 2 : i32
    %mul3A_0 = arith.muli %arg1, %mul3A : i32
    %add3A = arith.addi %mul3A_0, %arg0 : i32
    %mul3A_1 = arith.constant 4096 : i32
    %mul3A_2 = arith.muli %add3A, %mul3A_1 : i32
    %mul3A_3 = arith.constant 2 : i32
    %mul3A_4 = arith.muli %mul3A_2, %mul3A_3 : i32
    %mul3A_5 = arith.constant 4096 : i32
    %mul3A_6 = arith.muli %add3A, %mul3A_5 : i32
    %mul3A_7 = arith.constant 4096 : i32
    %mul3A_8 = arith.muli %add3A, %mul3A_7 : i32
    %mul3A_9 = arith.constant 2 : i32
    %mul3A_10 = arith.muli %mul3A_8, %mul3A_9 : i32
    %mul3A_11 = arith.constant 4096 : i32
    %mul3A_12 = arith.muli %add3A, %mul3A_11 : i32
    %add3A_13 = arith.constant 0 : i32
    %add3A_14 = arith.addi %add3A_13, %mul3A_12 : i32
    %mul3A_15 = arith.constant 4096 : i32
    %mul3A_16 = arith.muli %add3A, %mul3A_15 : i32
    %add3A_17 = arith.constant 131072 : i32
    %add3A_18 = arith.addi %add3A_17, %mul3A_16 : i32
    %mul3A_19 = arith.constant 4096 : i32
    %mul3A_20 = arith.muli %add3A, %mul3A_19 : i32
    %add3A_21 = arith.constant 262144 : i32
    %add3A_22 = arith.addi %add3A_21, %mul3A_20 : i32
    %dma_start3A = tpu.memref_slice %arg2[%mul3A_4] : memref<262144xf32, #tpu.memory_space<hbm>> -> memref<8192xf32, #tpu.memory_space<hbm>>
    %dma_start3A_23 = tpu.memref_slice %arg2[%mul3A_4] : memref<262144xf32, #tpu.memory_space<hbm>> -> memref<8192xf32, #tpu.memory_space<hbm>>
    tpu.enqueue_dma source(%dma_start3A_23 : memref<8192xf32, #tpu.memory_space<hbm>>) target(%arg7 : memref<8192xf32, #tpu.memory_space<vmem>>) target_semaphore(%arg12 : memref<!tpu.dma_semaphore, #tpu.memory_space<semaphore_mem>>)
    %dma_start3A_24 = tpu.memref_slice %arg3[%mul3A_6] : memref<131072xi32, #tpu.memory_space<hbm>> -> memref<4096xi32, #tpu.memory_space<hbm>>
    %dma_start3A_25 = tpu.memref_slice %arg3[%mul3A_6] : memref<131072xi32, #tpu.memory_space<hbm>> -> memref<4096xi32, #tpu.memory_space<hbm>>
    tpu.enqueue_dma source(%dma_start3A_25 : memref<4096xi32, #tpu.memory_space<hbm>>) target(%arg8 : memref<4096xi32, #tpu.memory_space<vmem>>) target_semaphore(%arg12 : memref<!tpu.dma_semaphore, #tpu.memory_space<semaphore_mem>>)
    %dma_start3A_26 = tpu.memref_slice %arg4[%mul3A_10] : memref<262144xf32, #tpu.memory_space<hbm>> -> memref<8192xf32, #tpu.memory_space<hbm>>
    %dma_start3A_27 = tpu.memref_slice %arg4[%mul3A_10] : memref<262144xf32, #tpu.memory_space<hbm>> -> memref<8192xf32, #tpu.memory_space<hbm>>
    tpu.enqueue_dma source(%dma_start3A_27 : memref<8192xf32, #tpu.memory_space<hbm>>) target(%arg9 : memref<8192xf32, #tpu.memory_space<vmem>>) target_semaphore(%arg12 : memref<!tpu.dma_semaphore, #tpu.memory_space<semaphore_mem>>)
    %dma_start3A_28 = arith.constant 0 : i32
    %dma_start3A_29 = tpu.memref_slice %arg10[%dma_start3A_28] : memref<12288xf32, #tpu.memory_space<vmem>> -> memref<4096xf32, #tpu.memory_space<vmem>>
    %dma_start3A_30 = tpu.memref_slice %arg5[%add3A_14] : memref<393216xf32, #tpu.memory_space<hbm>> -> memref<4096xf32, #tpu.memory_space<hbm>>
    %dma_start3A_31 = arith.constant 0 : i32
    %dma_start3A_32 = tpu.memref_slice %arg10[%dma_start3A_31] : memref<12288xf32, #tpu.memory_space<vmem>> -> memref<4096xf32, #tpu.memory_space<vmem>>
    %dma_start3A_33 = tpu.memref_slice %arg5[%add3A_14] : memref<393216xf32, #tpu.memory_space<hbm>> -> memref<4096xf32, #tpu.memory_space<hbm>>
    tpu.enqueue_dma source(%dma_start3A_33 : memref<4096xf32, #tpu.memory_space<hbm>>) target(%dma_start3A_32 : memref<4096xf32, #tpu.memory_space<vmem>>) target_semaphore(%arg12 : memref<!tpu.dma_semaphore, #tpu.memory_space<semaphore_mem>>)
    %dma_start3A_34 = arith.constant 4096 : i32
    %dma_start3A_35 = tpu.memref_slice %arg10[%dma_start3A_34] : memref<12288xf32, #tpu.memory_space<vmem>> -> memref<4096xf32, #tpu.memory_space<vmem>>
    %dma_start3A_36 = tpu.memref_slice %arg5[%add3A_18] : memref<393216xf32, #tpu.memory_space<hbm>> -> memref<4096xf32, #tpu.memory_space<hbm>>
    %dma_start3A_37 = arith.constant 4096 : i32
    %dma_start3A_38 = tpu.memref_slice %arg10[%dma_start3A_37] : memref<12288xf32, #tpu.memory_space<vmem>> -> memref<4096xf32, #tpu.memory_space<vmem>>
    %dma_start3A_39 = tpu.memref_slice %arg5[%add3A_18] : memref<393216xf32, #tpu.memory_space<hbm>> -> memref<4096xf32, #tpu.memory_space<hbm>>
    tpu.enqueue_dma source(%dma_start3A_39 : memref<4096xf32, #tpu.memory_space<hbm>>) target(%dma_start3A_38 : memref<4096xf32, #tpu.memory_space<vmem>>) target_semaphore(%arg12 : memref<!tpu.dma_semaphore, #tpu.memory_space<semaphore_mem>>)
    %dma_start3A_40 = arith.constant 8192 : i32
    %dma_start3A_41 = tpu.memref_slice %arg10[%dma_start3A_40] : memref<12288xf32, #tpu.memory_space<vmem>> -> memref<4096xf32, #tpu.memory_space<vmem>>
    %dma_start3A_42 = tpu.memref_slice %arg5[%add3A_22] : memref<393216xf32, #tpu.memory_space<hbm>> -> memref<4096xf32, #tpu.memory_space<hbm>>
    %dma_start3A_43 = arith.constant 8192 : i32
    %dma_start3A_44 = tpu.memref_slice %arg10[%dma_start3A_43] : memref<12288xf32, #tpu.memory_space<vmem>> -> memref<4096xf32, #tpu.memory_space<vmem>>
    %dma_start3A_45 = tpu.memref_slice %arg5[%add3A_22] : memref<393216xf32, #tpu.memory_space<hbm>> -> memref<4096xf32, #tpu.memory_space<hbm>>
    tpu.enqueue_dma source(%dma_start3A_45 : memref<4096xf32, #tpu.memory_space<hbm>>) target(%dma_start3A_44 : memref<4096xf32, #tpu.memory_space<vmem>>) target_semaphore(%arg12 : memref<!tpu.dma_semaphore, #tpu.memory_space<semaphore_mem>>)
    %dma_wait3A = tpu.memref_slice %arg2[%mul3A_4] : memref<262144xf32, #tpu.memory_space<hbm>> -> memref<8192xf32, #tpu.memory_space<hbm>>
    %dma_wait3A_46 = tpu.memref_slice %arg2[%mul3A_4] : memref<262144xf32, #tpu.memory_space<hbm>> -> memref<8192xf32, #tpu.memory_space<hbm>>
    tpu.wait_dma2 semaphore(%arg12 : memref<!tpu.dma_semaphore, #tpu.memory_space<semaphore_mem>>) src(%dma_wait3A_46 : memref<8192xf32, #tpu.memory_space<hbm>>) dst(%arg7 : memref<8192xf32, #tpu.memory_space<vmem>>)
    %dma_wait3A_47 = tpu.memref_slice %arg3[%mul3A_6] : memref<131072xi32, #tpu.memory_space<hbm>> -> memref<4096xi32, #tpu.memory_space<hbm>>
    %dma_wait3A_48 = tpu.memref_slice %arg3[%mul3A_6] : memref<131072xi32, #tpu.memory_space<hbm>> -> memref<4096xi32, #tpu.memory_space<hbm>>
    tpu.wait_dma2 semaphore(%arg12 : memref<!tpu.dma_semaphore, #tpu.memory_space<semaphore_mem>>) src(%dma_wait3A_48 : memref<4096xi32, #tpu.memory_space<hbm>>) dst(%arg8 : memref<4096xi32, #tpu.memory_space<vmem>>)
    %dma_wait3A_49 = tpu.memref_slice %arg4[%mul3A_10] : memref<262144xf32, #tpu.memory_space<hbm>> -> memref<8192xf32, #tpu.memory_space<hbm>>
    %dma_wait3A_50 = tpu.memref_slice %arg4[%mul3A_10] : memref<262144xf32, #tpu.memory_space<hbm>> -> memref<8192xf32, #tpu.memory_space<hbm>>
    tpu.wait_dma2 semaphore(%arg12 : memref<!tpu.dma_semaphore, #tpu.memory_space<semaphore_mem>>) src(%dma_wait3A_50 : memref<8192xf32, #tpu.memory_space<hbm>>) dst(%arg9 : memref<8192xf32, #tpu.memory_space<vmem>>)
    %dma_wait3A_51 = arith.constant 0 : i32
    %dma_wait3A_52 = tpu.memref_slice %arg10[%dma_wait3A_51] : memref<12288xf32, #tpu.memory_space<vmem>> -> memref<4096xf32, #tpu.memory_space<vmem>>
    %dma_wait3A_53 = tpu.memref_slice %arg5[%add3A_14] : memref<393216xf32, #tpu.memory_space<hbm>> -> memref<4096xf32, #tpu.memory_space<hbm>>
    %dma_wait3A_54 = arith.constant 0 : i32
    %dma_wait3A_55 = tpu.memref_slice %arg10[%dma_wait3A_54] : memref<12288xf32, #tpu.memory_space<vmem>> -> memref<4096xf32, #tpu.memory_space<vmem>>
    %dma_wait3A_56 = tpu.memref_slice %arg5[%add3A_14] : memref<393216xf32, #tpu.memory_space<hbm>> -> memref<4096xf32, #tpu.memory_space<hbm>>
    tpu.wait_dma2 semaphore(%arg12 : memref<!tpu.dma_semaphore, #tpu.memory_space<semaphore_mem>>) src(%dma_wait3A_56 : memref<4096xf32, #tpu.memory_space<hbm>>) dst(%dma_wait3A_55 : memref<4096xf32, #tpu.memory_space<vmem>>)
    %dma_wait3A_57 = arith.constant 4096 : i32
    %dma_wait3A_58 = tpu.memref_slice %arg10[%dma_wait3A_57] : memref<12288xf32, #tpu.memory_space<vmem>> -> memref<4096xf32, #tpu.memory_space<vmem>>
    %dma_wait3A_59 = tpu.memref_slice %arg5[%add3A_18] : memref<393216xf32, #tpu.memory_space<hbm>> -> memref<4096xf32, #tpu.memory_space<hbm>>
    %dma_wait3A_60 = arith.constant 4096 : i32
    %dma_wait3A_61 = tpu.memref_slice %arg10[%dma_wait3A_60] : memref<12288xf32, #tpu.memory_space<vmem>> -> memref<4096xf32, #tpu.memory_space<vmem>>
    %dma_wait3A_62 = tpu.memref_slice %arg5[%add3A_18] : memref<393216xf32, #tpu.memory_space<hbm>> -> memref<4096xf32, #tpu.memory_space<hbm>>
    tpu.wait_dma2 semaphore(%arg12 : memref<!tpu.dma_semaphore, #tpu.memory_space<semaphore_mem>>) src(%dma_wait3A_62 : memref<4096xf32, #tpu.memory_space<hbm>>) dst(%dma_wait3A_61 : memref<4096xf32, #tpu.memory_space<vmem>>)
    %dma_wait3A_63 = arith.constant 8192 : i32
    %dma_wait3A_64 = tpu.memref_slice %arg10[%dma_wait3A_63] : memref<12288xf32, #tpu.memory_space<vmem>> -> memref<4096xf32, #tpu.memory_space<vmem>>
    %dma_wait3A_65 = tpu.memref_slice %arg5[%add3A_22] : memref<393216xf32, #tpu.memory_space<hbm>> -> memref<4096xf32, #tpu.memory_space<hbm>>
    %dma_wait3A_66 = arith.constant 8192 : i32
    %dma_wait3A_67 = tpu.memref_slice %arg10[%dma_wait3A_66] : memref<12288xf32, #tpu.memory_space<vmem>> -> memref<4096xf32, #tpu.memory_space<vmem>>
    %dma_wait3A_68 = tpu.memref_slice %arg5[%add3A_22] : memref<393216xf32, #tpu.memory_space<hbm>> -> memref<4096xf32, #tpu.memory_space<hbm>>
    tpu.wait_dma2 semaphore(%arg12 : memref<!tpu.dma_semaphore, #tpu.memory_space<semaphore_mem>>) src(%dma_wait3A_68 : memref<4096xf32, #tpu.memory_space<hbm>>) dst(%dma_wait3A_67 : memref<4096xf32, #tpu.memory_space<vmem>>)
    %broadcast_in_dim3A = arith.constant 0.000000e+00 : f32
    %broadcast_in_dim3A_69 = vector.broadcast %broadcast_in_dim3A : f32 to vector<16xf32>
    %scan3A = arith.constant 1.11111116 : f32
    %scan3A_70 = arith.constant 0.555555582 : f32
    %scan3A_71 = arith.constant 0 : i32
    %scan3A_72 = arith.constant 256 : i32
    %scan3A_73 = arith.addi %scan3A_71, %scan3A_72 : i32
    %scan3A_74 = arith.constant 1 : i32
    %scan3A_75:4 = scf.for %scan3A_92 = %scan3A_71 to %scan3A_73 step %scan3A_74 iter_args(%scan3A_93 = %broadcast_in_dim3A_69, %scan3A_94 = %broadcast_in_dim3A_69, %scan3A_95 = %broadcast_in_dim3A_69, %scan3A_96 = %broadcast_in_dim3A_69) -> (vector<16xf32>, vector<16xf32>, vector<16xf32>, vector<16xf32>)  : i32 {
      %shift_right_arithmetic3A = arith.constant 3 : i32
      %shift_right_arithmetic3A_97 = arith.shrsi %scan3A_92, %shift_right_arithmetic3A : i32
      %mul3A_98 = arith.constant 256 : i32
      %mul3A_99 = arith.muli %mul3A_98, %shift_right_arithmetic3A_97 : i32
      %and3A = arith.constant 7 : i32
      %and3A_100 = arith.andi %scan3A_92, %and3A : i32
      %mul3A_101 = arith.constant 16 : i32
      %mul3A_102 = arith.muli %mul3A_101, %and3A_100 : i32
      %add3A_103 = arith.addi %mul3A_99, %mul3A_102 : i32
      %mul3A_104 = arith.constant 16 : i32
      %mul3A_105 = arith.muli %mul3A_104, %scan3A_92 : i32
      %get3A = arith.index_cast %add3A_103 : i32 to index
      %get3A_106 = tpu.vector_load %arg7[%get3A] {strides = array<i32>} : memref<8192xf32, #tpu.memory_space<vmem>>, vector<16xf32>,
      %add3A_107 = arith.constant 128 : i32
      %add3A_108 = arith.addi %add3A_103, %add3A_107 : i32
      %get3A_109 = arith.index_cast %add3A_108 : i32 to index
      %get3A_110 = tpu.vector_load %arg7[%get3A_109] {strides = array<i32>} : memref<8192xf32, #tpu.memory_space<vmem>>, vector<16xf32>,
      %get3A_111 = arith.index_cast %mul3A_105 : i32 to index
      %get3A_112 = tpu.vector_load %arg8[%get3A_111] {strides = array<i32>} : memref<4096xi32, #tpu.memory_space<vmem>>, vector<16xi32>,
      %max3A = arith.maximumf %get3A_106, %get3A_110 : vector<16xf32>
      %sub3A = arith.subf %get3A_106, %get3A_110 : vector<16xf32>
      %abs3A = math.absf %sub3A : vector<16xf32>
      %neg3A = arith.constant 0.000000e+00 : f32
      %neg3A_113 = vector.broadcast %neg3A : f32 to vector<16xf32>
      %neg3A_114 = arith.subf %neg3A_113, %abs3A : vector<16xf32>
      %exp3A = math.exp %neg3A_114 : vector<16xf32>
      %broadcast_in_dim3A_115 = arith.constant -0.0174140781 : f32
      %broadcast_in_dim3A_116 = vector.broadcast %broadcast_in_dim3A_115 : f32 to vector<16xf32>
      %mul3A_117 = arith.mulf %broadcast_in_dim3A_116, %exp3A : vector<16xf32>
      %add3A_118 = arith.constant 0.0826912373 : f32
      %add3A_119 = vector.broadcast %add3A_118 : f32 to vector<16xf32>
      %add3A_120 = arith.addf %mul3A_117, %add3A_119 : vector<16xf32>
      %mul3A_121 = arith.mulf %add3A_120, %exp3A : vector<16xf32>
      %add3A_122 = arith.constant -0.190354332 : f32
      %add3A_123 = vector.broadcast %add3A_122 : f32 to vector<16xf32>
      %add3A_124 = arith.addf %mul3A_121, %add3A_123 : vector<16xf32>
      %mul3A_125 = arith.mulf %add3A_124, %exp3A : vector<16xf32>
      %add3A_126 = arith.constant 0.315747321 : f32
      %add3A_127 = vector.broadcast %add3A_126 : f32 to vector<16xf32>
      %add3A_128 = arith.addf %mul3A_125, %add3A_127 : vector<16xf32>
      %mul3A_129 = arith.mulf %add3A_128, %exp3A : vector<16xf32>
      %add3A_130 = arith.constant -0.497373223 : f32
      %add3A_131 = vector.broadcast %add3A_130 : f32 to vector<16xf32>
      %add3A_132 = arith.addf %mul3A_129, %add3A_131 : vector<16xf32>
      %mul3A_133 = arith.mulf %add3A_132, %exp3A : vector<16xf32>
      %add3A_134 = arith.constant 0.99984771 : f32
      %add3A_135 = vector.broadcast %add3A_134 : f32 to vector<16xf32>
      %add3A_136 = arith.addf %mul3A_133, %add3A_135 : vector<16xf32>
      %mul3A_137 = arith.mulf %add3A_136, %exp3A : vector<16xf32>
      %add3A_138 = arith.constant 1.47206504E-6 : f32
      %add3A_139 = vector.broadcast %add3A_138 : f32 to vector<16xf32>
      %add3A_140 = arith.addf %mul3A_137, %add3A_139 : vector<16xf32>
      %add3A_141 = arith.addf %max3A, %add3A_140 : vector<16xf32>
      %jit3A = arith.constant 0 : i32
      %jit3A_142 = arith.constant 1 : i32
      %max3A_143 = vector.broadcast %jit3A : i32 to vector<16xi32>
      %max3A_144 = arith.maxsi %max3A_143, %get3A_112 : vector<16xi32>
      %min3A = vector.broadcast %jit3A_142 : i32 to vector<16xi32>
      %min3A_145 = arith.minsi %min3A, %max3A_144 : vector<16xi32>
      %eq3A = arith.constant 1 : i32
      %eq3A_146 = vector.broadcast %eq3A : i32 to vector<16xi32>
      %eq3A_147 = arith.cmpi eq, %min3A_145, %eq3A_146 : vector<16xi32>
      %select_n3A = arith.select %eq3A_147, %get3A_110, %get3A_106 : vector<16xi1>, vector<16xf32>
      %ne3A = arith.constant -1 : i32
      %ne3A_148 = vector.broadcast %ne3A : i32 to vector<16xi32>
      %ne3A_149 = arith.cmpi ne, %get3A_112, %ne3A_148 : vector<16xi32>
      %jit3A_150 = arith.constant 1.000000e+00 : f32
      %jit3A_151 = arith.constant 0.000000e+00 : f32
      %broadcast_in_dim3A_152 = vector.broadcast %jit3A_150 : f32 to vector<16xf32>
      %broadcast_in_dim3A_153 = vector.broadcast %jit3A_151 : f32 to vector<16xf32>
      %select_n3A_154 = arith.select %ne3A_149, %broadcast_in_dim3A_152, %broadcast_in_dim3A_153 : vector<16xi1>, vector<16xf32>
      %sub3A_155 = arith.subf %add3A_141, %select_n3A : vector<16xf32>
      %mul3A_156 = arith.mulf %sub3A_155, %select_n3A_154 : vector<16xf32>
      %add3A_157 = arith.addf %scan3A_93, %mul3A_156 : vector<16xf32>
      %add3A_158 = arith.addf %scan3A_94, %select_n3A_154 : vector<16xf32>
      %get3A_159 = arith.index_cast %add3A_103 : i32 to index
      %get3A_160 = tpu.vector_load %arg9[%get3A_159] {strides = array<i32>} : memref<8192xf32, #tpu.memory_space<vmem>>, vector<16xf32>,
      %add3A_161 = arith.constant 128 : i32
      %add3A_162 = arith.addi %add3A_103, %add3A_161 : i32
      %get3A_163 = arith.index_cast %add3A_162 : i32 to index
      %get3A_164 = tpu.vector_load %arg9[%get3A_163] {strides = array<i32>} : memref<8192xf32, #tpu.memory_space<vmem>>, vector<16xf32>,
      %get3A_165 = arith.index_cast %mul3A_105 : i32 to index
      %get3A_166 = tpu.vector_load %arg10[%get3A_165] {strides = array<i32>} : memref<12288xf32, #tpu.memory_space<vmem>>, vector<16xf32>,
      %add3A_167 = arith.constant 4096 : i32
      %add3A_168 = arith.addi %add3A_167, %mul3A_105 : i32
      %get3A_169 = arith.index_cast %add3A_168 : i32 to index
      %get3A_170 = tpu.vector_load %arg10[%get3A_169] {strides = array<i32>} : memref<12288xf32, #tpu.memory_space<vmem>>, vector<16xf32>,
      %add3A_171 = arith.constant 8192 : i32
      %add3A_172 = arith.addi %add3A_171, %mul3A_105 : i32
      %get3A_173 = arith.index_cast %add3A_172 : i32 to index
      %get3A_174 = tpu.vector_load %arg10[%get3A_173] {strides = array<i32>} : memref<12288xf32, #tpu.memory_space<vmem>>, vector<16xf32>,
      %sub3A_175 = arith.subf %get3A_170, %get3A_160 : vector<16xf32>
      %abs3A_176 = math.absf %sub3A_175 : vector<16xf32>
      %sub3A_177 = arith.subf %get3A_174, %get3A_164 : vector<16xf32>
      %abs3A_178 = math.absf %sub3A_177 : vector<16xf32>
      %lt3A = vector.broadcast %scan3A : f32 to vector<16xf32>
      %lt3A_179 = arith.cmpf olt, %abs3A_176, %lt3A : vector<16xf32>
      %mul3A_180 = arith.constant 4.500000e-01 : f32
      %mul3A_181 = vector.broadcast %mul3A_180 : f32 to vector<16xf32>
      %mul3A_182 = arith.mulf %mul3A_181, %abs3A_176 : vector<16xf32>
      %mul3A_183 = arith.mulf %mul3A_182, %abs3A_176 : vector<16xf32>
      %sub3A_184 = vector.broadcast %scan3A_70 : f32 to vector<16xf32>
      %sub3A_185 = arith.subf %abs3A_176, %sub3A_184 : vector<16xf32>
      %select_n3A_186 = arith.select %lt3A_179, %mul3A_183, %sub3A_185 : vector<16xi1>, vector<16xf32>
      %lt3A_187 = vector.broadcast %scan3A : f32 to vector<16xf32>
      %lt3A_188 = arith.cmpf olt, %abs3A_178, %lt3A_187 : vector<16xf32>
      %mul3A_189 = arith.constant 4.500000e-01 : f32
      %mul3A_190 = vector.broadcast %mul3A_189 : f32 to vector<16xf32>
      %mul3A_191 = arith.mulf %mul3A_190, %abs3A_178 : vector<16xf32>
      %mul3A_192 = arith.mulf %mul3A_191, %abs3A_178 : vector<16xf32>
      %sub3A_193 = vector.broadcast %scan3A_70 : f32 to vector<16xf32>
      %sub3A_194 = arith.subf %abs3A_178, %sub3A_193 : vector<16xf32>
      %select_n3A_195 = arith.select %lt3A_188, %mul3A_192, %sub3A_194 : vector<16xi1>, vector<16xf32>
      %eq3A_196 = arith.constant 1.000000e+00 : f32
      %eq3A_197 = vector.broadcast %eq3A_196 : f32 to vector<16xf32>
      %eq3A_198 = arith.cmpf oeq, %get3A_166, %eq3A_197 : vector<16xf32>
      %jit3A_199 = arith.constant 1.000000e+00 : f32
      %jit3A_200 = arith.constant 0.000000e+00 : f32
      %broadcast_in_dim3A_201 = vector.broadcast %jit3A_199 : f32 to vector<16xf32>
      %broadcast_in_dim3A_202 = vector.broadcast %jit3A_200 : f32 to vector<16xf32>
      %select_n3A_203 = arith.select %eq3A_198, %broadcast_in_dim3A_201, %broadcast_in_dim3A_202 : vector<16xi1>, vector<16xf32>
      %add3A_204 = arith.addf %select_n3A_186, %select_n3A_195 : vector<16xf32>
      %mul3A_205 = arith.mulf %add3A_204, %select_n3A_203 : vector<16xf32>
      %add3A_206 = arith.addf %scan3A_95, %mul3A_205 : vector<16xf32>
      %add3A_207 = arith.addf %scan3A_96, %select_n3A_203 : vector<16xf32>
      scf.yield %add3A_157, %add3A_158, %add3A_206, %add3A_207 : vector<16xf32>, vector<16xf32>, vector<16xf32>, vector<16xf32>
    }
    %scan3A_76 = arith.constant 256 : i32
    %swap3A = arith.constant 0 : i32
    %swap3A_77 = arith.index_cast %swap3A : i32 to index
    %swap3A_78 = arith.constant 0 : index
    %swap3A_79 = tpu.vector_load %arg11[%swap3A_77, %swap3A_78] {strides = array<i32>} : memref<4x16xf32, #tpu.memory_space<vmem>>, vector<16xf32>,
    tpu.vector_store %arg11[%swap3A_77, %swap3A_78], %scan3A_75#0 {strides = array<i32>} : memref<4x16xf32, #tpu.memory_space<vmem>>, vector<16xf32>,
    %swap3A_80 = arith.constant 1 : i32
    %swap3A_81 = arith.index_cast %swap3A_80 : i32 to index
    %swap3A_82 = arith.constant 0 : index
    %swap3A_83 = tpu.vector_load %arg11[%swap3A_81, %swap3A_82] {strides = array<i32>} : memref<4x16xf32, #tpu.memory_space<vmem>>, vector<16xf32>,
    tpu.vector_store %arg11[%swap3A_81, %swap3A_82], %scan3A_75#1 {strides = array<i32>} : memref<4x16xf32, #tpu.memory_space<vmem>>, vector<16xf32>,
    %swap3A_84 = arith.constant 2 : i32
    %swap3A_85 = arith.index_cast %swap3A_84 : i32 to index
    %swap3A_86 = arith.constant 0 : index
    %swap3A_87 = tpu.vector_load %arg11[%swap3A_85, %swap3A_86] {strides = array<i32>} : memref<4x16xf32, #tpu.memory_space<vmem>>, vector<16xf32>,
    tpu.vector_store %arg11[%swap3A_85, %swap3A_86], %scan3A_75#2 {strides = array<i32>} : memref<4x16xf32, #tpu.memory_space<vmem>>, vector<16xf32>,
    %swap3A_88 = arith.constant 3 : i32
    %swap3A_89 = arith.index_cast %swap3A_88 : i32 to index
    %swap3A_90 = arith.constant 0 : index
    %swap3A_91 = tpu.vector_load %arg11[%swap3A_89, %swap3A_90] {strides = array<i32>} : memref<4x16xf32, #tpu.memory_space<vmem>>, vector<16xf32>,
    tpu.vector_store %arg11[%swap3A_89, %swap3A_90], %scan3A_75#3 {strides = array<i32>} : memref<4x16xf32, #tpu.memory_space<vmem>>, vector<16xf32>,
    "tpu.region"() ({
      %run_scoped3A = tpu.sem_alloc : memref<!tpu.dma_semaphore, #tpu.memory_space<semaphore_mem>>
      %dma_start3A_92 = arith.constant 0 : i32
      %dma_start3A_93 = arith.constant 0 : i32
      %dma_start3A_94 = tpu.memref_slice %arg6[%add3A, %dma_start3A_92, %dma_start3A_93] : memref<32x4x16xf32, #tpu.memory_space<hbm>> -> memref<1x4x16xf32, #tpu.memory_space<hbm>>
      %dma_start3A_95 = tpu.memref_squeeze %dma_start3A_94 : memref<1x4x16xf32, #tpu.memory_space<hbm>> -> memref<4x16xf32, #tpu.memory_space<hbm>>
      %dma_start3A_96 = arith.constant 0 : i32
      %dma_start3A_97 = arith.constant 0 : i32
      %dma_start3A_98 = tpu.memref_slice %arg6[%add3A, %dma_start3A_96, %dma_start3A_97] : memref<32x4x16xf32, #tpu.memory_space<hbm>> -> memref<1x4x16xf32, #tpu.memory_space<hbm>>
      %dma_start3A_99 = tpu.memref_squeeze %dma_start3A_98 : memref<1x4x16xf32, #tpu.memory_space<hbm>> -> memref<4x16xf32, #tpu.memory_space<hbm>>
      tpu.enqueue_dma source(%arg11 : memref<4x16xf32, #tpu.memory_space<vmem>>) target(%dma_start3A_99 : memref<4x16xf32, #tpu.memory_space<hbm>>) target_semaphore(%run_scoped3A : memref<!tpu.dma_semaphore, #tpu.memory_space<semaphore_mem>>)
      %dma_wait3A_100 = arith.constant 0 : i32
      %dma_wait3A_101 = arith.constant 0 : i32
      %dma_wait3A_102 = tpu.memref_slice %arg6[%add3A, %dma_wait3A_100, %dma_wait3A_101] : memref<32x4x16xf32, #tpu.memory_space<hbm>> -> memref<1x4x16xf32, #tpu.memory_space<hbm>>
      %dma_wait3A_103 = tpu.memref_squeeze %dma_wait3A_102 : memref<1x4x16xf32, #tpu.memory_space<hbm>> -> memref<4x16xf32, #tpu.memory_space<hbm>>
      %dma_wait3A_104 = arith.constant 0 : i32
      %dma_wait3A_105 = arith.constant 0 : i32
      %dma_wait3A_106 = tpu.memref_slice %arg6[%add3A, %dma_wait3A_104, %dma_wait3A_105] : memref<32x4x16xf32, #tpu.memory_space<hbm>> -> memref<1x4x16xf32, #tpu.memory_space<hbm>>
      %dma_wait3A_107 = tpu.memref_squeeze %dma_wait3A_106 : memref<1x4x16xf32, #tpu.memory_space<hbm>> -> memref<4x16xf32, #tpu.memory_space<hbm>>
      tpu.wait_dma2 semaphore(%run_scoped3A : memref<!tpu.dma_semaphore, #tpu.memory_space<semaphore_mem>>) src(%arg11 : memref<4x16xf32, #tpu.memory_space<vmem>>) dst(%dma_wait3A_107 : memref<4x16xf32, #tpu.memory_space<hbm>>)
      tpu.yield
    }) : () -> ()
    return
  }
}

</mosaic_0001>

<sc_bundles>
// kernel: kernel.3.cloned.1.call-start
scs
__scs_entry_jumppad:
0x0: {  	(pc) =	sbr.rel $0x88, $3  }
0x1: {  	(tag) =	ssettag $0x0;
	lr =	simm.s32 $0x1  }
0x2: {  	[smem:$0x3F9D] =	sst lr;
	_ =	strace $0xD0000000  }
0x3: {  	_ = 	snop  }
0x4: {  	_ = 	snop  }
0x5: {  	_ = 	snop  }
0x6: {  	_ = 	snop  }
0x7: {  	_ = 	snop  }
__scs_overlays_trampoline_lowered:
0x8: {  	[smem:$0x3FAC] =	sst s0  }
0x9: {  	[smem:$0x3FAD] =	sst s1  }
0xa: {  	[smem:$0x3FAE] =	sst s2  }
0xb: {  	[smem:$0x3FAF] =	sst s3  }
0xc: {  	[smem:$0x3FB0] =	sst s4  }
0xd: {  	[smem:$0x3FB1] =	sst s5  }
0xe: {  	[smem:$0x3FB2] =	sst s6  }
0xf: {  	[smem:$0x3FB3] =	sst s7  }
0x10: {  	[smem:$0x3FB4] =	sst s8  }
0x11: {  	[smem:$0x3FB5] =	sst s9;
	s0 =	simm.s32 @!p0 $0x0  }
0x12: {  	s1 =	sld [smem:$0x3F9B];
	s0 =	simm.s32 @p0 $0x1  }
0x13: {  	[smem:$0x3FB6] =	sst s0;
	s0 =	simm.s32 @!p1 $0x0  }
0x14: {  	s2 =	sld [smem:$0x3F9A];
	s0 =	simm.s32 @p1 $0x1  }
0x15: {  	[smem:$0x3FB7] =	sst s0;
	s0 =	simm.s32 @!p2 $0x0  }
0x16: {  	s3 =	sld [smem:$0x3FDB];
	s0 =	simm.s32 @p2 $0x1  }
0x17: {  	s4 =	simm.s32 $0x1BF5;
	[smem:$0x3FB9] =	sst s0  }
0x18: {  	s0 =	sld [smem:$0x3F9C];
	_ =	swait.ge [sflag:s4], $0x0  }
0x19: {  	s7 =	sld [smem:$0x3F9D]  }
0x1a: {  	s8 =	sadd.s32 $0xFFFFE003, lr  }
0x1b: {  	s9 =	sadd.s32 $0xFFFFFEF7, lr;
	s5 =	simm.s32 $0xFFFFFFFF;
	p2 =	slt.u32 s8, $0xFFFFF086  }
0x1c: {  	p1 =	slt.u32 s9, $0xF7A;
	s5 =	simm.s32 @!p2 $0x0  }
0x1d: {  	s5 =	simm.s32 @p1 $0x1;
	p0 =	seq.s32 s7, s2  }
0x1e: {  	s7 =	smul.u32 @!p0 $0xF7A, s2;
	p2 =	seq.s32 @!p0 s5, $0x0  }
0x1f: {  	s9 =	smul.u32 $0xF7A, s1;
	s8 =	simm.s32 @!p0 $0x1BF5;
	p2 =	por !p2, p0  }
0x20: {  	[sflag:s8] =	ssyncset.s32 @!p0 $0xFFFFF086;
	s6 =	sadd.s32 @!p0 s3, s7;
	s7 =	simm.s32 @!p0 $0x108  }
0x21: {  	s3 =	sadd.s32 s3, s9;
	s6 =	sadd.s32 @!p0 $0x88, s6;
	s7 =	simm.s32 @p2 $0x1082  }
0x22: {  	[simem:s7], [sflag:s8] =	dma.local @!p0 [hbm:s6], $0xF7A  }
0x23: {  	s9 =	sor.u32 $0xD0000000, s2;
	s6 =	simm.s32 $0x108;
	_ =	swait.ge @!p0 [sflag:s8], $0x0  }
0x24: {  	s3 =	sadd.s32 $0x88, s3;
	s6 =	simm.s32 @!p1 $0x1082;
	[sflag:s4] =	ssyncset.s32 $0xFFFFF086  }
0x25: {  	[simem:s6], [sflag:s4] =	dma.local [hbm:s3], $0xF7A  }
0x26: {  	[smem:$0x3F9D] =	sst s1;
	(tag) =	ssettag s2;
	_ =	strace s9  }
0x27: {  	s1 =	sld [smem:$0x3FAD]  }
0x28: {  	s2 =	sld [smem:$0x3FAE]  }
0x29: {  	s4 =	sld [smem:$0x3FB0]  }
0x2a: {  	p0 =	seq.s32 s5, $0x0;
	s5 =	sld [smem:$0x3FB1]  }
0x2b: {  	s6 =	sld [smem:$0x3FB2]  }
0x2c: {  	s7 =	sld [smem:$0x3FB3]  }
0x2d: {  	s3 =	simm.s32 $0x108;
	s8 =	sld [smem:$0x3FB4]  }
0x2e: {  	s3 =	simm.s32 @!p0 $0x1082;
	s9 =	sld [smem:$0x3FB5]  }
0x2f: {  	lr =	sadd.s32 s0, s3;
	s0 =	sld [smem:$0x3FAC]  }
0x30: {  	s3 =	sld [smem:$0x3FAF]  }
0x31: {  	[smem:$0x3FB8] =	sst s10  }
0x32: {  	s10 =	sld [smem:$0x3FB6];
	_ =	sdelay $0x3  }
0x33: {  	p0 =	seq.s32 s10, $0x1;
	s10 =	sld [smem:$0x3FB8];
	_ =	sdelay $0x3  }
0x34: {  	[smem:$0x3FB8] =	sst s10  }
0x35: {  	s10 =	sld [smem:$0x3FB7];
	_ =	sdelay $0x3  }
0x36: {  	p1 =	seq.s32 s10, $0x1;
	s10 =	sld [smem:$0x3FB8];
	_ =	sdelay $0x3  }
0x37: {  	[smem:$0x3FB8] =	sst s10  }
0x38: {  	s10 =	sld [smem:$0x3FB9]  }
0x39: {  	_ = 	snop;
	(pc) =	sbr.ind lr, $3  }
0x3a: {  	_ = 	snop  }
0x3b: {  	_ = 	snop  }
0x3c: {  	p2 =	seq.s32 s10, $0x1;
	s10 =	sld [smem:$0x3FB8]  }
0x3d: {  	_ =	shalt  }
0x3e: {  	_ =	shalt  }
0x3f: {  	_ =	shalt  }
0x40: {  	_ =	shalt  }
0x41: {  	_ =	shalt  }
0x42: {  	_ =	shalt  }
0x43: {  	_ =	shalt  }
0x44: {  	_ =	shalt  }
0x45: {  	_ =	shalt  }
0x46: {  	_ =	shalt  }
0x47: {  	_ =	shalt  }
0x48: {  	_ =	shalt  }
0x49: {  	_ =	shalt  }
0x4a: {  	_ =	shalt  }
0x4b: {  	_ =	shalt  }
0x4c: {  	_ =	shalt  }
0x4d: {  	_ =	shalt  }
0x4e: {  	_ =	shalt  }
0x4f: {  	_ =	shalt  }
0x50: {  	_ =	shalt  }
0x51: {  	_ =	shalt  }
0x52: {  	_ =	shalt  }
0x53: {  	_ =	shalt  }
0x54: {  	_ =	shalt  }
0x55: {  	_ =	shalt  }
0x56: {  	_ =	shalt  }
0x57: {  	_ =	shalt  }
0x58: {  	_ =	shalt  }
0x59: {  	_ =	shalt  }
0x5a: {  	_ =	shalt  }
0x5b: {  	_ =	shalt  }
0x5c: {  	_ =	shalt  }
0x5d: {  	_ =	shalt  }
0x5e: {  	_ =	shalt  }
0x5f: {  	_ =	shalt  }
0x60: {  	_ =	shalt  }
0x61: {  	_ =	shalt  }
0x62: {  	_ =	shalt  }
0x63: {  	_ =	shalt  }
0x64: {  	_ =	shalt  }
0x65: {  	_ =	shalt  }
0x66: {  	_ =	shalt  }
0x67: {  	_ =	shalt  }
0x68: {  	_ =	shalt  }
0x69: {  	_ =	shalt  }
0x6a: {  	_ =	shalt  }
0x6b: {  	_ =	shalt  }
0x6c: {  	_ =	shalt  }
0x6d: {  	_ =	shalt  }
0x6e: {  	_ =	shalt  }
0x6f: {  	_ =	shalt  }
0x70: {  	_ =	shalt  }
0x71: {  	_ =	shalt  }
0x72: {  	_ =	shalt  }
0x73: {  	_ =	shalt  }
0x74: {  	_ =	shalt  }
0x75: {  	_ =	shalt  }
0x76: {  	_ =	shalt  }
0x77: {  	_ =	shalt  }
0x78: {  	_ =	shalt  }
0x79: {  	_ =	shalt  }
0x7a: {  	_ =	shalt  }
0x7b: {  	_ =	shalt  }
0x7c: {  	_ =	shalt  }
0x7d: {  	_ =	shalt  }
0x7e: {  	_ =	shalt  }
0x7f: {  	_ =	shalt  }
0x80: {  	_ =	shalt  }
0x81: {  	_ =	shalt  }
0x82: {  	_ =	shalt  }
0x83: {  	_ =	shalt  }
0x84: {  	_ =	shalt  }
0x85: {  	_ =	shalt  }
0x86: {  	_ =	shalt  }
0x87: {  	_ =	shalt  }
.Lfunc_end0:
.L_simem_size_0:
called_computation_lowered:
.L_overlay_start_0:
0x88: {  	s2 =	sld [smem:$0x3FD9]  }
0x89: {  	s3 =	sld [smem:$0x3FFE];
	_ =	sdelay $0x1  }
0x8a: {  	s1 =	srdreg.scid  }
0x8b: {  	s0 =	sand.u32 $0x1, s1  }
0x8c: {  	s17 =	sshll.u32 s0, $0xA;
	s2 =	sadd.s32 s3, s2  }
0x8d: {  	s2 =	sadd.s32 s2, s17  }
0x8e: {  	[smem:$0x3FC4] =	sst s2  }
0x8f: {  	_ = 	snop  }
0x90: {  	s2 =	sld [smem:$0x3FC9]  }
0x91: {  	s18 =	sld [smem:$0x3FC8]  }
0x92: {  	s4 =	sld [smem:$0x3FC7]  }
0x93: {  	s5 =	sld [smem:$0x3FC6];
	(tm) =	ssettm $0x1  }
0x94: {  	s6 =	sld [smem:$0x3FFB];
	_ =	sdelay $0x3  }
0x95: {  	_ =	strace s6  }
0x96: {  	s6 =	sld [smem:$0x3FFC];
	_ =	sdelay $0x3  }
0x97: {  	_ =	strace s6  }
0x98: {  	s6 =	sld [smem:$0x3FFD];
	_ =	sdelay $0x3  }
0x99: {  	_ =	strace s6  }
0x9a: {  	_ =	strace $0x8FFFFFFF  }
0x9b: {  	s19 =	sld [smem:$0x3FDB];
	_ =	sdelay $0x1  }
0x9c: {  	s7 =	simm.s32 $_scs_section_size  }
0x9d: {  	s8 =	simm.s32 $_size__tile_overlayer_lowered;
	s9 =	simm.s32 $_tile_overlayer_lowered  }
0x9e: {  	s22 =	simm.s32 $0x1BFF;
	s21 =	sshll.u32 s9, $0x1;
	s6 =	sadd.s32 s7, s19  }
0x9f: {  	s10 =	simm.s32 $0x0;
	s20 =	sshll.u32 s8, $0x1;
	s8 =	sadd.s32 s21, s6  }
0xa0: {  	[timem:s10], [sflag:s22] =	dma.local [hbm:s8], s20  }
0xa1: {  	_ =	swait.ge [sflag:s22], s20  }
0xa2: {  	s7 =	ssub.s32 $0x0, s20;
	[sflag:s22] =	ssyncset.done $0x0  }
0xa3: {  	[sflag:s22] =	ssyncadd.s32 s7;
	_ =	sdelay $0x1  }
0xa4: {  	s23 =	simm.s32 $0x1B8B  }
0xa5: {  	_ =	swait.ge [sflag:s23], $0x1  }
0xa6: {  	[sflag:s23] =	ssyncset.done $0x0  }
0xa7: {  	s25 =	simm.s32 $0x1B8E;
	s24 =	sld [smem:$0x3FFE];
	[sflag:s23] =	ssyncadd.s32 $0xFFFFFFFF  }
0xa8: {  	s26 =	simm.s32 $execute0_lowered;
	[smem:$0x3FD2] =	sst s25  }
0xa9: {  	s8 =	sshll.u32 s26, $0x1;
	_ =	strace $0x80000046;
	[dreg:$0x1] =	wrdreg $0xFFFFFFFF  }
0xaa: {  	s28 =	simm.s32 $_size_execute0_lowered;
	s6 =	sadd.s32 s6, s8;
	[dreg:$0x0] =	wrdreg $0x0  }
0xab: {  	s8 =	sshll.u32 s28, $0x1;
	[dreg:$0x2] =	wrdreg s6  }
0xac: {  	[dreg:$0x3] =	wrdreg s8  }
0xad: {  	[dreg:$0x4] =	wrdreg $0xC0  }
0xae: {  	_ =	task [dreg:s10], $0x5FFFF  }
0xaf: {  	[dreg:$0x1] =	wrdreg $0xFFFFFFFF  }
0xb0: {  	[dreg:$0x0] =	wrdreg $0x60  }
0xb1: {  	[dreg:$0x2] =	wrdreg s2  }
0xb2: {  	[dreg:$0x3] =	wrdreg s18  }
0xb3: {  	[dreg:$0x4] =	wrdreg s4  }
0xb4: {  	[dreg:$0x5] =	wrdreg s5  }
0xb5: {  	[dreg:$0x6] =	wrdreg s24  }
0xb6: {  	[dreg:$0x7] =	wrdreg $0x9  }
0xb7: {  	_ =	task.clear_ibuf [dreg:s10], $0x8FFFF;
	_ =	strace $0x90000046  }
0xb8: {  	s29 =	simm.s32 $0x9;
	_ =	strace $0x80000048  }
0xb9: {  	_ =	swait.ge [sflag:s29], $0x1  }
0xba: {  	[sflag:s29] =	ssyncadd.s32 $0xFFFFFFFF  }
0xbb: {  	_ =	strace $0x90000048  }
0xbc: {  	_ =	sfence  }
0xbd: {  	s30 =	sld [smem:$0x0];
	_ =	sdelay $0x2  }
0xbe: {  	s31 =	sshll.u32 s1, $0xD;
	s1 =	sshrl.u32 s1, $0x2  }
0xbf: {  	s3 =	sand.u32 $0x4000, s31;
	s1 =	sadd.s32 s1, s30  }
0xc0: {  	s0 =	sor.u32 s3, s0;
	s1 =	sshll.u32 s1, $0x11  }
0xc1: {  	s0 =	sor.u32 s1, s0  }
0xc2: {  	s0 =	sadd.s32 $0x8F2B, s0  }
0xc3: {  	[sflag:s0] =	ssyncadd.remote.s32 $0x1  }
0xc4: {  	_ =	sfence.sel $0xFFFF  }
0xc5: {  	[dreg:$0x0] =	wrdreg $0xFFFFFFFF;
	(pc) =	sbr.abs _section_cstart, $3  }
0xc6: {  	[dreg:$0x1] =	wrdreg $0xFFFFFFFF  }
0xc7: {  	_ =	task.clear_ibuf [dreg:s10], $0x2FFFF;
	_ =	strace $0x9FFFFFFF  }
0xc8: {  	(tm) =	ssettm $0x7FFFFFFF  }
0xc9: {  	_ =	shalt  }
tec
execute0_lowered:
.L_overlay_start_1:
0x0: {  	(tag) =	ssettag $0x1  }
0x1: {  	s3 =	rddreg [dreg:$0x0]  }
0x2: {  	s4 =	rddreg [dreg:$0x1]  }
0x3: {  	s6 =	rddreg [dreg:$0x2]  }
0x4: {  	s5 =	rddreg [dreg:$0x3]  }
0x5: {  	s1 =	srdreg.scid;
	s0 =	stileid.u32  }
0x6: {  	s7 =	rddreg [dreg:$0x4];
	s2 =	simm.s32 $0x0;
	s12 =	simm.s32 $0x6000  }
0x7: {  	s13 =	simm.s32 $0x7000;
	s14 =	simm.s32 $0x1;
	s15 =	simm.s32 $0x8000  }
0x8: {  	s16 =	simm.s32 $0x2;
	s8 =	sand.u32 $0x1, s1;
	s1 =	rddreg [dreg:$0x5]  }
0x9: {  	s17 =	simm.s32 $0x0;
	s9 =	sshll.u32 s0, $0x1;
	[smem:$0x7FF] =	sst s2  }
0xa: {  	s9 =	sor.u32 s8, s9;
	s8 =	ssub.s32 $0x2, s8;
	_ =	strace $0x80000047  }
0xb: {  	s10 =	sshll.u32 s9, $0x6;
	s29 =	sshrl.u32 s8, $0x1;
	s30 =	sshll.u32 s9, $0x9  }
0xc: {  	s31 =	sshll.u32 s9, $0xA;
	s10 =	sadd.s32 s10, s7;
	s11 =	ssub.s32 s8, s29  }
0xd: {  	s3 =	sadd.s32 s3, s31;
	s4 =	sadd.s32 s4, s30;
	s5 =	sadd.s32 s5, s30  }
0xe: {  	s6 =	sadd.s32 s6, s31;
	s7 =	sadd.s32 $0x4000, s5;
	s8 =	sadd.s32 $0x8000, s5  }
0xf: {  	v0 =	vimm.f32 $0.0e+00;
	v1 =	vimm.f32 $1.000000000e+00;
	s9 =	sadd.s32 $0x200, s10;
	s10 =	smax.u32 s11, $0x1;
	s11 =	simm.s32 $0x3000  }
.LBB2_1:
0x10: {  	[tilespmem:s2], [sflag:$0x1] =	stream.linear.gather [hbm4b:s3+s2], $0x2000, $0x38;
	[tilespmem:$0x8200] =	vst v63  }
0x11: {  	s18 =	simm.s32 $0x2000  }
0x12: {  	[tilespmem:s18], [sflag:$0x1] =	stream.linear.gather [hbm4b:s4+s2], $0x1000, $0x38;
	[tilespmem:$0x8200] =	vst v63  }
0x13: {  	_ = 	snop  }
0x14: {  	[tilespmem:s11], [sflag:$0x1] =	stream.linear.gather [hbm4b:s6+s2], $0x2000, $0x38;
	[tilespmem:$0x8200] =	vst v63  }
0x15: {  	s19 =	simm.s32 $0x5000  }
0x16: {  	[tilespmem:s19], [sflag:$0x1] =	stream.linear.gather [hbm4b:s5+s2], $0x1000, $0x38;
	[tilespmem:$0x8200] =	vst v63  }
0x17: {  	_ = 	snop  }
0x18: {  	[tilespmem:s12], [sflag:$0x1] =	stream.linear.gather [hbm4b:s7+s2], $0x1000, $0x38;
	[tilespmem:$0x8200] =	vst v63  }
0x19: {  	_ = 	snop  }
0x1a: {  	[tilespmem:s13], [sflag:$0x1] =	stream.linear.gather [hbm4b:s8+s2], $0x1000, $0x38;
	[tilespmem:$0x8200] =	vst v63  }
0x1b: {  	_ =	swait.ge [sflag:s14], $0x2000  }
0x1c: {  	[sflag:s14] =	ssyncset.done $0x0  }
0x1d: {  	[sflag:s14] =	ssyncadd.s32 $0xFFFFE000  }
0x1e: {  	_ =	swait.ge [sflag:s14], $0x1000  }
0x1f: {  	[sflag:s14] =	ssyncset.done $0x0  }
0x20: {  	[sflag:s14] =	ssyncadd.s32 $0xFFFFF000  }
0x21: {  	_ =	swait.ge [sflag:s14], $0x2000  }
0x22: {  	[sflag:s14] =	ssyncset.done $0x0  }
0x23: {  	[sflag:s14] =	ssyncadd.s32 $0xFFFFE000  }
0x24: {  	_ =	swait.ge [sflag:s14], $0x1000  }
0x25: {  	[sflag:s14] =	ssyncset.done $0x0  }
0x26: {  	[sflag:s14] =	ssyncadd.s32 $0xFFFFF000  }
0x27: {  	_ =	swait.ge [sflag:s14], $0x1000  }
0x28: {  	[sflag:s14] =	ssyncset.done $0x0  }
0x29: {  	[sflag:s14] =	ssyncadd.s32 $0xFFFFF000  }
0x2a: {  	_ =	swait.ge [sflag:s14], $0x1000  }
0x2b: {  	s20 =	sand.u32 $0x1F00, s2;
	s21 =	sand.u32 $0x70, s2;
	[sflag:s14] =	ssyncset.done $0x0  }
0x2c: {  	s20 =	sor.u32 s21, s20;
	[sflag:s14] =	ssyncadd.s32 $0xFFFFF000  }
0x2d: {  	v5 =	vld [tilespmem:s20+$0x0]  }
0x2e: {  	v7 =	vld [tilespmem:s20+$0x80];
	_ =	sdelay $0x4  }
0x2f: {  	v2 =	vsub.f32 v5, v7;
	_ =	sdelay $0x1  }
0x30: {  	v2 =	vand.u32 $0x7FFFFFFF, v2  }
0x31: {  	v2 =	vsub.f32 $0.0e+00, v2;
	_ =	sdelay $0x1  }
0x32: {  	s29 =	sand.u32 $0xFF0, s2;
	v2 =	vmul.f32 $1.442695020e+00, v2  }
0x33: {  	v4 =	vld [tilespmem:s29+$0x6000]  }
0x34: {  	s22 =	simm.s32 $0x20;
	s23 =	simm.s32 $0x10;
	v6 =	vld [tilespmem:s20+$0x3000];
	(erf) = vpow2.f32 v2  }
0x35: {  	s30 =	sand.u32 $0x1F00, s22;
	s31 =	sand.u32 $0x70, s23;
	v8 =	vld [tilespmem:s20+$0x3080]  }
0x36: {  	v9 =	vld [tilespmem:s29+$0x7000];
	s20 =	sor.u32 s31, s30  }
0x37: {  	v3 =	vld [tilespmem:s20+$0x80]  }
0x38: {  	v2 =	vld [tilespmem:s20+$0x0];
	_ =	sdelay $0x1  }
0x39: {  	s24 =	sand.u32 $0xFF0, s23;
	v4 =	vsub.f32 v4, v6  }
0x3a: {  	v6 =	vsub.f32 v9, v8;
	v8 =	vld [tilespmem:s24+$0x6000]  }
0x3b: {  	v9 =	vld [tilespmem:s20+$0x3000];
	v4 =	vand.u32 $0x7FFFFFFF, v4  }
0x3c: {  	v16 =	vld [tilespmem:s24+$0x7000];
	v6 =	vand.u32 $0x7FFFFFFF, v6;
	v10 =	vmul.f32 $4.499999880e-01, v4;
	v12 =	vsub.f32 v2, v3;
	v13 =	vpop (erf)  }
0x3d: {  	v11 =	vld [tilespmem:s20+$0x3080];
	v14 =	vadd.f32 $-5.555555820e-01, v4;
	v15 =	vadd.f32 $-5.555555820e-01, v6;
	v17 =	vmul.f32 $-1.741407810e-02, v13  }
0x3e: {  	v18 =	vld [tilespmem:s19+$0x0];
	v19 =	vmul.f32 $4.499999880e-01, v6;
	v10 =	vmul.f32 v10, v4;
	v12 =	vand.u32 $0x7FFFFFFF, v12  }
0x3f: {  	s25 =	simm.s32 $0x40;
	s26 =	simm.s32 $0x20;
	vm0 =	vlt.f32 v4, $1.111111160e+00;
	v4 =	vsub.f32 $0.0e+00, v12;
	v12 =	vadd.f32 $8.269123730e-02, v17  }
0x40: {  	s19 =	sand.u32 $0x1F00, s25;
	s29 =	sand.u32 $0x70, s26;
	v8 =	vsub.f32 v8, v9;
	v10 =	vsel vm0, v10, v14;
	v17 =	vmul.f32 v19, v6  }
0x41: {  	s19 =	sor.u32 s29, s19;
	vm0 =	vlt.f32 v6, $1.111111160e+00;
	v4 =	vmul.f32 $1.442695020e+00, v4;
	v6 =	vmul.f32 v12, v13  }
0x42: {  	v20 =	vld [tilespmem:s19+$0x3000];
	s20 =	sand.u32 $0xFF0, s26;
	v9 =	vsel vm0, v17, v15;
	v12 =	vand.u32 $0x7FFFFFFF, v8;
	v8 =	vsub.f32 v16, v11  }
0x43: {  	s28 =	simm.s32 $0x5010;
	(erf) = vpow2.f32 v4;
	vm0 =	veq.f32 v18, $1.000000000e+00;
	v15 =	vld [tilespmem:s20+$0x6000];
	v9 =	vadd.f32 v9, v10  }
0x44: {  	v11 =	vld [tilespmem:s28+$0x0];
	v10 =	vmul.f32 $4.499999880e-01, v12;
	v4 =	vadd.f32 $-1.903543320e-01, v6;
	v14 =	vand.u32 $0x7FFFFFFF, v8  }
0x45: {  	v16 =	vsel vm0, $0x3F800000, v0;
	v18 =	vadd.f32 $-5.555555820e-01, v12;
	v6 =	vld [tilespmem:s19+$0x0];
	v17 =	vmul.f32 $4.499999880e-01, v14  }
0x46: {  	vm0 =	vlt.f32 v12, $1.111111160e+00;
	v8 =	vld [tilespmem:s19+$0x80];
	v9 =	vmul.f32 v9, v16;
	v4 =	vmul.f32 v4, v13  }
0x47: {  	v19 =	vadd.f32 $-5.555555820e-01, v14;
	v10 =	vmul.f32 v10, v12;
	v16 =	vadd.f32 v16, v0  }
0x48: {  	vm1 =	vlt.f32 v14, $1.111111160e+00;
	v12 =	vld [tilespmem:s19+$0x3080];
	v17 =	vmul.f32 v17, v14;
	v4 =	vadd.f32 $3.157473210e-01, v4  }
0x49: {  	v10 =	vsel vm0, v10, v18;
	v14 =	vld [tilespmem:s20+$0x7000];
	v9 =	vadd.f32 v9, v0;
	vm0 =	veq.f32 v11, $1.000000000e+00  }
0x4a: {  	v15 =	vsub.f32 v15, v20;
	v17 =	vsel vm1, v17, v19;
	v4 =	vmul.f32 v4, v13  }
0x4b: {  	v18 =	vsel vm0, $0x3F800000, v0;
	v11 =	vadd.f32 v17, v10;
	v17 =	vsub.f32 v6, v8  }
0x4c: {  	v10 =	vpop (erf);
	v19 =	vadd.f32 $-4.973732230e-01, v4;
	v4 =	vadd.f32 v18, v16  }
0x4d: {  	v16 =	vand.u32 $0x7FFFFFFF, v17;
	v17 =	vmul.f32 $-1.741407810e-02, v10;
	v11 =	vmul.f32 v11, v18  }
0x4e: {  	v12 =	vsub.f32 v14, v12;
	v14 =	vand.u32 $0x7FFFFFFF, v15;
	v19 =	vmul.f32 v19, v13  }
0x4f: {  	v16 =	vsub.f32 $0.0e+00, v16;
	v21 =	vmul.f32 $4.499999880e-01, v14;
	v15 =	vadd.f32 $8.269123730e-02, v17  }
0x50: {  	s30 =	simm.s32 $0x60;
	s20 =	simm.s32 $0x30;
	v20 =	vadd.f32 $-5.555555820e-01, v14;
	vm0 =	vlt.f32 v14, $1.111111160e+00;
	v17 =	vld [tilespmem:s18+$0x0];
	v19 =	vadd.f32 $9.998477100e-01, v19  }
0x51: {  	s21 =	sand.u32 $0x1F00, s30;
	s31 =	sand.u32 $0x70, s20;
	v18 =	vand.u32 $0x7FFFFFFF, v12;
	v9 =	vadd.f32 v11, v9;
	v12 =	vmul.f32 v15, v10  }
0x52: {  	s23 =	sor.u32 s31, s21;
	v23 =	vmul.f32 $1.442695020e+00, v16;
	v16 =	vadd.f32 $-5.555555820e-01, v18;
	v13 =	vmul.f32 v19, v13  }
0x53: {  	s19 =	simm.s32 $0x5020;
	v11 =	vld [tilespmem:s23+$0x0];
	v22 =	vmul.f32 v21, v14;
	v21 =	vmul.f32 $4.499999880e-01, v18;
	v12 =	vadd.f32 $-1.903543320e-01, v12  }
0x54: {  	s22 =	sand.u32 $0xFF0, s20;
	v14 =	vmax.f32 v5, v7;
	(erf) = vpow2.f32 v23;
	v19 =	vld [tilespmem:s19+$0x0];
	v13 =	vadd.f32 $1.472065040e-06, v13  }
0x55: {  	v15 =	vld [tilespmem:s22+$0x6000];
	v21 =	vmul.f32 v21, v18;
	vm1 =	vgt.s32 v17, $0x0;
	v23 =	vmul.f32 v12, v10  }
0x56: {  	s21 =	simm.s32 $0x80;
	v12 =	vld [tilespmem:s23+$0x80];
	v24 =	vadd.f32 v13, v14;
	v14 =	vimm.f32 $0.0e+00;
	v13 =	vimm.f32 $0.0e+00  }
.LBB2_2:
0x57: {  	p0 =	sne.s32 s21, $0x1FE0;
	v25 =	vld [tilespmem:s23+$0x3000];
	v20 =	vsel vm0, v22, v20;
	vm0 =	vlt.f32 v18, $1.111111160e+00;
	v22 =	vsel vm1, v7, v5;
	v5 =	vmovc v2;
	v2 =	vmovc v6  }
0x58: {  	vm1 =	veq.s32 v17, $0xFFFFFFFF;
	v7 =	vmovc v3;
	v3 =	vmovc v8;
	v18 =	vld [tilespmem:s23+$0x3080];
	v23 =	vadd.f32 $3.157473210e-01, v23;
	v17 =	vsub.f32 v24, v22  }
0x59: {  	v24 =	vsel vm0, v21, v16;
	vm0 =	veq.f32 v19, $1.000000000e+00;
	v16 =	vsel vm1, $0x0, v1;
	v22 =	vld [tilespmem:s22+$0x7000]  }
0x5a: {  	v24 =	vadd.f32 v24, v20;
	v20 =	vmul.f32 v23, v10;
	v17 =	vmul.f32 v17, v16;
	v6 =	vmovc v11  }
0x5b: {  	v21 =	vsel vm0, $0x3F800000, v0;
	v14 =	vadd.f32 v16, v14;
	v11 =	vsub.f32 v6, v12;
	v8 =	vmovc v12  }
0x5c: {  	v12 =	vmul.f32 v24, v21;
	v16 =	vadd.f32 $-4.973732230e-01, v20;
	v13 =	vadd.f32 v17, v13  }
0x5d: {  	v4 =	vadd.f32 v21, v4;
	v15 =	vsub.f32 v15, v25;
	v19 =	vpop (erf)  }
0x5e: {  	v11 =	vand.u32 $0x7FFFFFFF, v11;
	v17 =	vmul.f32 $-1.741407810e-02, v19;
	v16 =	vmul.f32 v16, v10  }
0x5f: {  	v11 =	vsub.f32 $0.0e+00, v11;
	v21 =	vand.u32 $0x7FFFFFFF, v15;
	v15 =	vsub.f32 v22, v18  }
0x60: {  	s18 =	sadd.s32 $0x10, s18;
	v22 =	vmul.f32 $4.499999880e-01, v21;
	v23 =	vadd.f32 $8.269123730e-02, v17;
	v24 =	vadd.f32 $9.998477100e-01, v16  }
0x61: {  	v20 =	vadd.f32 $-5.555555820e-01, v21;
	v11 =	vmul.f32 $1.442695020e+00, v11;
	v18 =	vand.u32 $0x7FFFFFFF, v15;
	v17 =	vld [tilespmem:s18+$0x0]  }
.Ltmp0:
0x62: {  	s20 =	sadd.s32 $0x10, s20;
	s19 =	sadd.s32 $0x10, s19;
	v16 =	vadd.f32 $-5.555555820e-01, v18;
	v23 =	vmul.f32 v23, v19;
	v24 =	vmul.f32 v24, v10;
	v10 =	vmovc v19;
	(pc) =	sbr.rel @p0 .LBB2_2-.Ltmp0, $4  }
0x63: {  	s23 =	sand.u32 $0x1F00, s21;
	s24 =	sand.u32 $0x70, s20;
	s22 =	sand.u32 $0xFF0, s20;
	v9 =	vadd.f32 v12, v9;
	v22 =	vmul.f32 v22, v21;
	v25 =	vmul.f32 $4.499999880e-01, v18;
	v19 =	vld [tilespmem:s19+$0x0]  }
0x64: {  	s23 =	sor.u32 s24, s23;
	v15 =	vld [tilespmem:s22+$0x6000];
	(erf) = vpow2.f32 v11;
	v23 =	vadd.f32 $-1.903543320e-01, v23;
	v24 =	vadd.f32 $1.472065040e-06, v24  }
0x65: {  	vm0 =	vlt.f32 v21, $1.111111160e+00;
	v21 =	vmul.f32 v25, v18;
	v25 =	vmax.f32 v5, v7;
	v11 =	vld [tilespmem:s23+$0x0]  }
0x66: {  	s21 =	sadd.s32 $0x20, s21;
	v12 =	vld [tilespmem:s23+$0x80];
	v23 =	vmul.f32 v23, v10;
	v24 =	vadd.f32 v24, v25;
	vm1 =	vgt.s32 v17, $0x0  }
0x67: {  	_ =	sdelay $0x3  }
0x68: {  	v25 =	vsub.f32 v11, v12;
	_ =	sdelay $0x1  }
0x69: {  	v25 =	vand.u32 $0x7FFFFFFF, v25  }
0x6a: {  	v25 =	vsub.f32 $0.0e+00, v25;
	_ =	sdelay $0x1  }
0x6b: {  	v25 =	vmul.f32 $1.442695020e+00, v25;
	_ =	sdelay $0x1  }
0x6c: {  	(erf) = vpow2.f32 v25;
	_ =	sdelay $0x6  }
0x6d: {  	v60 =	vpop (erf)  }
0x6e: {  	v26 =	vmul.f32 $-1.741407810e-02, v60  }
0x6f: {  	v20 =	vsel vm0, v22, v20;
	vm4 =	vlt.f32 v18, $1.111111160e+00;
	v27 =	vpop (erf)  }
0x70: {  	v5 =	vsel vm1, v7, v5;
	v61 =	vadd.f32 $8.269123730e-02, v26;
	v62 =	vmul.f32 $-1.741407810e-02, v27  }
0x71: {  	vm5 =	veq.s32 v17, $0xFFFFFFFF;
	v46 =	vmax.f32 v2, v3;
	v52 =	vmax.f32 v6, v8  }
0x72: {  	v63 =	vld [tilespmem:s23+$0x3000];
	v5 =	vsub.f32 v24, v5;
	v28 =	vmul.f32 v61, v60;
	v29 =	vadd.f32 $8.269123730e-02, v62  }
0x73: {  	v30 =	vld [tilespmem:s23+$0x3080];
	v23 =	vadd.f32 $3.157473210e-01, v23;
	v16 =	vsel vm4, v21, v16;
	vm6 =	veq.f32 v19, $1.000000000e+00  }
0x74: {  	v31 =	vld [tilespmem:s22+$0x7000];
	s18 =	sadd.s32 $0x10, s18;
	v32 =	vsel vm5, $0x0, v1;
	v17 =	vadd.f32 $-1.903543320e-01, v28;
	v18 =	vmul.f32 v29, v27  }
0x75: {  	s31 =	sadd.s32 $0x10, s19;
	v41 =	vld [tilespmem:s18+$0x0];
	v16 =	vadd.f32 v16, v20;
	v34 =	vsel vm6, $0x3F800000, v0;
	v33 =	vmul.f32 v23, v10  }
0x76: {  	v53 =	vld [tilespmem:s31+$0x0];
	v14 =	vadd.f32 v32, v14;
	v17 =	vmul.f32 v17, v60;
	v18 =	vadd.f32 $-1.903543320e-01, v18  }
0x77: {  	v5 =	vmul.f32 v5, v32;
	v16 =	vmul.f32 v16, v34;
	v20 =	vadd.f32 $-4.973732230e-01, v33  }
0x78: {  	s18 =	sadd.s32 $0x10, s18;
	v7 =	vsub.f32 v15, v63;
	v35 =	vadd.f32 $3.157473210e-01, v17;
	v36 =	vmul.f32 v18, v27  }
0x79: {  	v48 =	vld [tilespmem:s18+$0x0];
	v55 =	vmax.f32 v11, v12;
	v5 =	vadd.f32 v5, v13;
	v38 =	vsub.f32 v31, v30  }
0x7a: {  	vm8 =	vgt.s32 v41, $0x0;
	v15 =	vmul.f32 v35, v60;
	v17 =	vadd.f32 $3.157473210e-01, v36  }
0x7b: {  	vm10 =	veq.s32 v41, $0xFFFFFFFF;
	vm15 =	veq.f32 v53, $1.000000000e+00;
	v37 =	vmul.f32 v20, v10  }
0x7c: {  	s18 =	sadd.s32 $0x10, s18;
	v7 =	vand.u32 $0x7FFFFFFF, v7;
	v15 =	vadd.f32 $-4.973732230e-01, v15;
	v17 =	vmul.f32 v17, v27  }
0x7d: {  	v50 =	vld [tilespmem:s18+$0x0];
	v2 =	vsel vm8, v3, v2;
	v51 =	vsel vm10, $0x0, v1;
	v13 =	vadd.f32 $9.998477100e-01, v37  }
0x7e: {  	vm11 =	vgt.s32 v48, $0x0;
	v15 =	vmul.f32 v15, v60;
	v17 =	vadd.f32 $-4.973732230e-01, v17  }
0x7f: {  	vm12 =	veq.s32 v48, $0xFFFFFFFF;
	v39 =	vmul.f32 $4.499999880e-01, v7;
	v43 =	vmul.f32 v13, v10  }
0x80: {  	v40 =	vadd.f32 $-5.555555820e-01, v7;
	v15 =	vadd.f32 $9.998477100e-01, v15;
	v17 =	vmul.f32 v17, v27  }
0x81: {  	vm7 =	vlt.f32 v7, $1.111111160e+00;
	v54 =	vsel vm11, v8, v6;
	v10 =	vadd.f32 $1.472065040e-06, v43  }
0x82: {  	vm13 =	vgt.s32 v50, $0x0;
	v3 =	vmul.f32 v15, v60;
	v49 =	vadd.f32 $9.998477100e-01, v17  }
0x83: {  	v57 =	vsel vm12, $0x0, v1;
	vm14 =	veq.s32 v50, $0xFFFFFFFF;
	v10 =	vadd.f32 v10, v46  }
0x84: {  	v59 =	vadd.f32 v51, v14;
	v3 =	vadd.f32 $1.472065040e-06, v3;
	v15 =	vmul.f32 v49, v27  }
0x85: {  	v58 =	vsel vm13, v12, v11;
	v2 =	vsub.f32 v10, v2;
	v18 =	vand.u32 $0x7FFFFFFF, v38  }
0x86: {  	v44 =	vmul.f32 $4.499999880e-01, v18;
	v3 =	vadd.f32 v3, v52;
	v15 =	vadd.f32 $1.472065040e-06, v15  }
0x87: {  	v19 =	vmul.f32 v39, v7;
	v2 =	vmul.f32 v2, v51;
	v42 =	vadd.f32 $-5.555555820e-01, v18  }
0x88: {  	v45 =	vmul.f32 v44, v18;
	v3 =	vsub.f32 v3, v54;
	v56 =	vadd.f32 v15, v55  }
0x89: {  	v47 =	vsel vm7, v19, v40;
	v2 =	vadd.f32 v2, v5;
	vm9 =	vlt.f32 v18, $1.111111160e+00  }
0x8a: {  	v7 =	vsel vm9, v45, v42;
	v3 =	vmul.f32 v3, v57;
	v6 =	vsub.f32 v56, v58  }
0x8b: {  	v10 =	vsel vm14, $0x0, v1;
	v5 =	vadd.f32 v57, v59;
	v7 =	vadd.f32 v7, v47  }
0x8c: {  	v60 =	vsel vm15, $0x3F800000, v0;
	v2 =	vadd.f32 v3, v2;
	v3 =	vmul.f32 v6, v10  }
0x8d: {  	v61 =	vadd.f32 v16, v9;
	v62 =	vadd.f32 v10, v5;
	v7 =	vmul.f32 v7, v60  }
0x8e: {  	v2 =	vadd.f32 v3, v2;
	v3 =	vadd.f32 v34, v4  }
0x8f: {  	[tilespmem:$0x8080] =	vst v62;
	v63 =	vadd.f32 v7, v61  }
0x90: {  	s17 =	sadd.s32 $0x1, s17;
	[tilespmem:$0x8000] =	vst v2;
	v2 =	vadd.f32 v60, v3  }
0x91: {  	p0 =	sne.s32 s17, s10;
	[tilespmem:$0x8100] =	vst v63  }
.Ltmp1:
0x92: {  	[tilespmem:$0x8180] =	vst v2;
	(pc) =	sbr.rel @p0 .LBB2_1-.Ltmp1, $4  }
0x93: {  	[hbm4b:s9+s2] =	stream.linear.scatter [tilespmem:s15], [sflag:$0x2], $0x200, $0x38;
	[tilespmem:$0x8200] =	vst v63  }
0x94: {  	_ =	swait.ge [sflag:s16], $0x200  }
0x95: {  	[sflag:s16] =	ssyncset.done $0x0  }
0x96: {  	[sflag:s16] =	ssyncadd.s32 $0xFFFFFE00  }
0x97: {  	_ =	sfence.sel $0x180000  }
0x98: {  	[bflag:$0x0] =	sbarrier.arrive $0xFFFF  }
0x99: {  	p0 =	sne.s32 s0, $0x0;
	_ =	strace $0x90000047  }
0x9a: {  	s0 =	sadd.s32 @!p0 $0x100000, s1;
	[bflag:$0x2] =	sbarrier.arrive $0xFFFF  }
0x9b: {  	[sflag:s0] =	ssyncadd.tile.s32 @!p0 $0x1;
	_ =	shalt  }
.Lfunc_end2:
_tile_overlayer_lowered:
.L_overlay_start_2:
0x9c: {  	(tag) =	ssettag $0x2  }
0x9d: {  	s0 =	rddreg [dreg:$0x0];
	s2 =	stileid.u32  }
0x9e: {  	s1 =	rddreg [dreg:$0x1];
	p0 =	sne.s32 s2, $0x0  }
0x9f: {  	s3 =	rddreg [dreg:$0x2];
	[bflag:$0x3] =	sbarrier.arrive $0xFFFF;
	s2 =	simm.s32 @!p0 $0x1C02  }
0xa0: {  	[timem:s3], [sflag:s2] =	dma.local @!p0 [hbm:s0], s1  }
0xa1: {  	s0 =	simm.s32 @!p0 $0x2  }
0xa2: {  	_ =	swait.ge @!p0 [sflag:s0], s1  }
0xa3: {  	s1 =	ssub.s32 @!p0 $0x0, s1;
	[sflag:s0] =	ssyncset.done @!p0 $0x0  }
0xa4: {  	[sflag:s0] =	ssyncadd.s32 @!p0 s1  }
0xa5: {  	[bflag:$0x3] =	sbarrier.arrive $0xFFFF  }
0xa6: {  	_ =	shalt  }

</sc_bundles>
